<compile_context>
chip_gen: v7x
topology: tpu7x:2x2x1
jax: 0.10.2.dev20260603
libtpu: 0.0.44.dev20260713+nightly
codegen_flags: <defaults>
</compile_context>

<pallas_src>
import functools

import jax
import jax.numpy as jnp
from jax import lax
from jax.experimental import pallas as pl
from jax.experimental.pallas import tpu as pltpu
from jax.experimental.pallas import tpu_sc as plsc

B = 6144
D = 1024
NW = 32
B_PER_W = B // NW
CH = 32
NCHUNK = B_PER_W // CH

mesh = plsc.VectorSubcoreMesh(core_axis_name="c", subcore_axis_name="s")


@functools.partial(
    pl.kernel, mesh=mesh,
    out_type=jax.ShapeDtypeStruct((B, D), jnp.float32),
    scratch_types=[
        pltpu.VMEM((CH,), jnp.int32),
        pltpu.VMEM((CH, D), jnp.float32),
        pltpu.SemaphoreType.DMA,
    ],
)
def _gather_rows(table_hbm, idx_hbm, out_hbm, idx_v, rows_v, sem):
    wid = lax.axis_index("s") * 2 + lax.axis_index("c")
    base = wid * B_PER_W

    @pl.loop(0, NCHUNK)
    def _(c):
        off = base + c * CH
        pltpu.sync_copy(idx_hbm.at[pl.ds(off, CH)], idx_v)
        pltpu.async_copy(table_hbm.at[idx_v], rows_v, sem).wait()
        pltpu.sync_copy(rows_v, out_hbm.at[pl.ds(off, CH)])


@jax.jit
def kernel(hidden_states, expert_affinities, expert_indices, seq_len,
           gate_up_proj, down_proj):
    del seq_len
    ids = (jnp.arange(B, dtype=jnp.int32) * 997) % hidden_states.shape[0]
    return _gather_rows(hidden_states, ids)

# --- scband reference (transcript-rebuilt; emitter-appended) ---
"""Pipeline reference for scband-expert-mlpwrapper-33483565040228 (READ-ONLY COPY).

The authoritative reference and input builder live on the scoring server;
editing this copy changes nothing except your own understanding.
"""

import jax, jax.numpy as jnp
import numpy as np

E = 8
TOP_K = 2
H = 1024
I = 768
T = 2048


def setup_inputs(seed: int = 0) -> dict:
    key = jax.random.key(seed)
    k0, k1, k2, k3, k4 = jax.random.split(key, 5)
    hidden_states = jax.random.normal(k0, (T, H), dtype=jnp.float32)
    expert_affinities = jax.random.uniform(k1, (T, E), dtype=jnp.float32)
    expert_indices = jax.random.randint(k2, (T, TOP_K), 0, E, dtype=jnp.int32)
    # fused expert weights (as produced by fuse_experts_weights):
    # gate_up_proj: [E, H, 2*I], down_proj: [E, I, H]
    gate_up_proj = jax.random.normal(k3, (E, H, 2 * I), dtype=jnp.float32) * 0.02
    down_proj = jax.random.normal(k4, (E, I, H), dtype=jnp.float32) * 0.02
    return {
        'hidden_states': hidden_states,
        'expert_affinities': expert_affinities,
        'expert_indices': expert_indices,
        'seq_len': T,
        'gate_up_proj': gate_up_proj,
        'down_proj': down_proj,
    }


def reference(hidden_states, expert_affinities, expert_indices, seq_len, gate_up_proj, down_proj):
    # gather top-k affinities per token and normalize (norm_topk_prob=True)
    top_affin = jnp.take_along_axis(expert_affinities, expert_indices, axis=1)  # [T, top_k]
    top_affin = top_affin / (jnp.sum(top_affin, axis=1, keepdims=True) + 1e-9)
    out = jnp.zeros((hidden_states.shape[0], H), dtype=jnp.float32)
    # all-experts path (capacity_factor=None): every expert processes all tokens,
    # masked-combined by routing weights
    for e in range(E):
        gu = hidden_states @ gate_up_proj[e]          # [T, 2I]
        gate = gu[:, :I]
        up = gu[:, I:]
        h = jax.nn.silu(gate) * up                    # GLU MLP
        y = h @ down_proj[e]                          # [T, H]
        w = jnp.sum(jnp.where(expert_indices == e, top_affin, 0.0), axis=1)  # [T]
        out = out + y * w[:, None]
    # _reduce_output: all-reduce over TP group; identity with world_size=1
    out = out.astype(jnp.float32)
    return out

if __name__ == "__main__":
    import jax
    _d = setup_inputs()
    print(jax.jit(kernel)(*tuple(_d.values())))

</pallas_src>

<mosaic_0001>
#map = affine_map<(d0, d1) -> (0, 0)>
#map1 = affine_map<(d0, d1) -> (0)>
module attributes {stable_mosaic.version = 14 : i64} {
  func.func @_gather_rows(%arg0: i32, %arg1: i32, %arg2: memref<2048x1024xf32, #tpu.memory_space<hbm>>, %arg3: memref<6144xi32, #tpu.memory_space<hbm>>, %arg4: memref<6144x1024xf32, #tpu.memory_space<hbm>>, %arg5: memref<32xi32, #tpu.memory_space<vmem>>, %arg6: memref<32x1024xf32, #tpu.memory_space<vmem>>, %arg7: memref<!tpu.dma_semaphore, #tpu.memory_space<semaphore_mem>>) attributes {dimension_semantics = [#tpu.dimension_semantics<core_parallel>, #tpu.dimension_semantics<subcore_parallel>], iteration_bounds = array<i64: 2, 16>, scalar_prefetch = 0 : i64, scratch_operands = 3 : i64, tpu.core_type = #tpu.core_type<sc_vector_subcore>, window_params = [{transform_indices = #map}, {transform_indices = #map1}, {transform_indices = #map}]} {
    %mul3A = arith.constant 2 : i32
    %mul3A_0 = arith.muli %arg1, %mul3A : i32
    %add3A = arith.addi %mul3A_0, %arg0 : i32
    %mul3A_1 = arith.constant 192 : i32
    %mul3A_2 = arith.muli %add3A, %mul3A_1 : i32
    %scan3A = arith.constant 0 : i32
    %scan3A_3 = arith.constant 6 : i32
    %scan3A_4 = arith.addi %scan3A, %scan3A_3 : i32
    %scan3A_5 = arith.constant 1 : i32
    scf.for %scan3A_7 = %scan3A to %scan3A_4 step %scan3A_5  : i32 {
      %mul3A_8 = arith.constant 1 : i32
      %mul3A_9 = arith.muli %scan3A_7, %mul3A_8 : i32
      %add3A_10 = arith.constant 0 : i32
      %add3A_11 = arith.addi %add3A_10, %mul3A_9 : i32
      %mul3A_12 = arith.constant 32 : i32
      %mul3A_13 = arith.muli %add3A_11, %mul3A_12 : i32
      %add3A_14 = arith.addi %mul3A_2, %mul3A_13 : i32
      "tpu.region"() ({
        %run_scoped3A = tpu.sem_alloc : memref<!tpu.dma_semaphore, #tpu.memory_space<semaphore_mem>>
        %dma_start3A_19 = tpu.memref_slice %arg3[%add3A_14] : memref<6144xi32, #tpu.memory_space<hbm>> -> memref<32xi32, #tpu.memory_space<hbm>>
        %dma_start3A_20 = tpu.memref_slice %arg3[%add3A_14] : memref<6144xi32, #tpu.memory_space<hbm>> -> memref<32xi32, #tpu.memory_space<hbm>>
        tpu.enqueue_dma source(%dma_start3A_20 : memref<32xi32, #tpu.memory_space<hbm>>) target(%arg5 : memref<32xi32, #tpu.memory_space<vmem>>) target_semaphore(%run_scoped3A : memref<!tpu.dma_semaphore, #tpu.memory_space<semaphore_mem>>)
        %dma_wait3A_21 = tpu.memref_slice %arg3[%add3A_14] : memref<6144xi32, #tpu.memory_space<hbm>> -> memref<32xi32, #tpu.memory_space<hbm>>
        %dma_wait3A_22 = tpu.memref_slice %arg3[%add3A_14] : memref<6144xi32, #tpu.memory_space<hbm>> -> memref<32xi32, #tpu.memory_space<hbm>>
        tpu.wait_dma2 semaphore(%run_scoped3A : memref<!tpu.dma_semaphore, #tpu.memory_space<semaphore_mem>>) src(%dma_wait3A_22 : memref<32xi32, #tpu.memory_space<hbm>>) dst(%arg5 : memref<32xi32, #tpu.memory_space<vmem>>)
        tpu.yield
      }) : () -> ()
      %dma_start3A = arith.constant 0 : i32
      %dma_start3A_15 = arith.constant 0 : i32
      %dma_start3A_16 = tpu.memref_slice %arg2[%dma_start3A, %dma_start3A_15] : memref<2048x1024xf32, #tpu.memory_space<hbm>> -> memref<2048x1024xf32, #tpu.memory_space<hbm>>
      tpu.enqueue_indirect_dma source(%dma_start3A_16 : memref<2048x1024xf32, #tpu.memory_space<hbm>>) target(%arg6 : memref<32x1024xf32, #tpu.memory_space<vmem>>) offsets(%arg5 : memref<32xi32, #tpu.memory_space<vmem>>) semaphore(%arg7 : memref<!tpu.dma_semaphore, #tpu.memory_space<semaphore_mem>>)
      %dma_wait3A = arith.constant 0 : i32
      %dma_wait3A_17 = arith.constant 0 : i32
      %dma_wait3A_18 = tpu.memref_slice %arg2[%dma_wait3A, %dma_wait3A_17] : memref<2048x1024xf32, #tpu.memory_space<hbm>> -> memref<2048x1024xf32, #tpu.memory_space<hbm>>
      tpu.wait_indirect_dma semaphore(%arg7 : memref<!tpu.dma_semaphore, #tpu.memory_space<semaphore_mem>>) src(%dma_wait3A_18 : memref<2048x1024xf32, #tpu.memory_space<hbm>>) dst(%arg6 : memref<32x1024xf32, #tpu.memory_space<vmem>>)
      "tpu.region"() ({
        %run_scoped3A = tpu.sem_alloc : memref<!tpu.dma_semaphore, #tpu.memory_space<semaphore_mem>>
        %dma_start3A_19 = arith.constant 0 : i32
        %dma_start3A_20 = tpu.memref_slice %arg4[%add3A_14, %dma_start3A_19] : memref<6144x1024xf32, #tpu.memory_space<hbm>> -> memref<32x1024xf32, #tpu.memory_space<hbm>>
        %dma_start3A_21 = arith.constant 0 : i32
        %dma_start3A_22 = tpu.memref_slice %arg4[%add3A_14, %dma_start3A_21] : memref<6144x1024xf32, #tpu.memory_space<hbm>> -> memref<32x1024xf32, #tpu.memory_space<hbm>>
        tpu.enqueue_dma source(%arg6 : memref<32x1024xf32, #tpu.memory_space<vmem>>) target(%dma_start3A_22 : memref<32x1024xf32, #tpu.memory_space<hbm>>) target_semaphore(%run_scoped3A : memref<!tpu.dma_semaphore, #tpu.memory_space<semaphore_mem>>)
        %dma_wait3A_23 = arith.constant 0 : i32
        %dma_wait3A_24 = tpu.memref_slice %arg4[%add3A_14, %dma_wait3A_23] : memref<6144x1024xf32, #tpu.memory_space<hbm>> -> memref<32x1024xf32, #tpu.memory_space<hbm>>
        %dma_wait3A_25 = arith.constant 0 : i32
        %dma_wait3A_26 = tpu.memref_slice %arg4[%add3A_14, %dma_wait3A_25] : memref<6144x1024xf32, #tpu.memory_space<hbm>> -> memref<32x1024xf32, #tpu.memory_space<hbm>>
        tpu.wait_dma2 semaphore(%run_scoped3A : memref<!tpu.dma_semaphore, #tpu.memory_space<semaphore_mem>>) src(%arg6 : memref<32x1024xf32, #tpu.memory_space<vmem>>) dst(%dma_wait3A_26 : memref<32x1024xf32, #tpu.memory_space<hbm>>)
        tpu.yield
      }) : () -> ()
    }
    %scan3A_6 = arith.constant 6 : i32
    return
  }
}

</mosaic_0001>

<sc_bundles>
// kernel: kernel.3.cloned.1.call-start
scs
__scs_entry_jumppad:
0x0: {  	(pc) =	sbr.rel $0x88, $3  }
0x1: {  	(tag) =	ssettag $0x0;
	lr =	simm.s32 $0x1  }
0x2: {  	[smem:$0x3FA0] =	sst lr;
	_ =	strace $0xD0000000  }
0x3: {  	_ = 	snop  }
0x4: {  	_ = 	snop  }
0x5: {  	_ = 	snop  }
0x6: {  	_ = 	snop  }
0x7: {  	_ = 	snop  }
__scs_overlays_trampoline_lowered:
0x8: {  	[smem:$0x3FAF] =	sst s0  }
0x9: {  	[smem:$0x3FB0] =	sst s1  }
0xa: {  	[smem:$0x3FB1] =	sst s2  }
0xb: {  	[smem:$0x3FB2] =	sst s3  }
0xc: {  	[smem:$0x3FB3] =	sst s4  }
0xd: {  	[smem:$0x3FB4] =	sst s5  }
0xe: {  	[smem:$0x3FB5] =	sst s6  }
0xf: {  	[smem:$0x3FB6] =	sst s7  }
0x10: {  	[smem:$0x3FB7] =	sst s8  }
0x11: {  	[smem:$0x3FB8] =	sst s9;
	s0 =	simm.s32 @!p0 $0x0  }
0x12: {  	s1 =	sld [smem:$0x3F9E];
	s0 =	simm.s32 @p0 $0x1  }
0x13: {  	[smem:$0x3FB9] =	sst s0;
	s0 =	simm.s32 @!p1 $0x0  }
0x14: {  	s2 =	sld [smem:$0x3F9D];
	s0 =	simm.s32 @p1 $0x1  }
0x15: {  	[smem:$0x3FBA] =	sst s0;
	s0 =	simm.s32 @!p2 $0x0  }
0x16: {  	s3 =	sld [smem:$0x3FDB];
	s0 =	simm.s32 @p2 $0x1  }
0x17: {  	s4 =	simm.s32 $0x1BF5;
	[smem:$0x3FBC] =	sst s0  }
0x18: {  	s0 =	sld [smem:$0x3F9F];
	_ =	swait.ge [sflag:s4], $0x0  }
0x19: {  	s7 =	sld [smem:$0x3FA0]  }
0x1a: {  	s8 =	sadd.s32 $0xFFFFE003, lr  }
0x1b: {  	s9 =	sadd.s32 $0xFFFFFEF7, lr;
	s5 =	simm.s32 $0xFFFFFFFF;
	p2 =	slt.u32 s8, $0xFFFFF086  }
0x1c: {  	p1 =	slt.u32 s9, $0xF7A;
	s5 =	simm.s32 @!p2 $0x0  }
0x1d: {  	s5 =	simm.s32 @p1 $0x1;
	p0 =	seq.s32 s7, s2  }
0x1e: {  	s7 =	smul.u32 @!p0 $0xF7A, s2;
	p2 =	seq.s32 @!p0 s5, $0x0  }
0x1f: {  	s9 =	smul.u32 $0xF7A, s1;
	s8 =	simm.s32 @!p0 $0x1BF5;
	p2 =	por !p2, p0  }
0x20: {  	[sflag:s8] =	ssyncset.s32 @!p0 $0xFFFFF086;
	s6 =	sadd.s32 @!p0 s3, s7;
	s7 =	simm.s32 @!p0 $0x108  }
0x21: {  	s3 =	sadd.s32 s3, s9;
	s6 =	sadd.s32 @!p0 $0x88, s6;
	s7 =	simm.s32 @p2 $0x1082  }
0x22: {  	[simem:s7], [sflag:s8] =	dma.local @!p0 [hbm:s6], $0xF7A  }
0x23: {  	s9 =	sor.u32 $0xD0000000, s2;
	s6 =	simm.s32 $0x108;
	_ =	swait.ge @!p0 [sflag:s8], $0x0  }
0x24: {  	s3 =	sadd.s32 $0x88, s3;
	s6 =	simm.s32 @!p1 $0x1082;
	[sflag:s4] =	ssyncset.s32 $0xFFFFF086  }
0x25: {  	[simem:s6], [sflag:s4] =	dma.local [hbm:s3], $0xF7A  }
0x26: {  	[smem:$0x3FA0] =	sst s1;
	(tag) =	ssettag s2;
	_ =	strace s9  }
0x27: {  	s1 =	sld [smem:$0x3FB0]  }
0x28: {  	s2 =	sld [smem:$0x3FB1]  }
0x29: {  	s4 =	sld [smem:$0x3FB3]  }
0x2a: {  	p0 =	seq.s32 s5, $0x0;
	s5 =	sld [smem:$0x3FB4]  }
0x2b: {  	s6 =	sld [smem:$0x3FB5]  }
0x2c: {  	s7 =	sld [smem:$0x3FB6]  }
0x2d: {  	s3 =	simm.s32 $0x108;
	s8 =	sld [smem:$0x3FB7]  }
0x2e: {  	s3 =	simm.s32 @!p0 $0x1082;
	s9 =	sld [smem:$0x3FB8]  }
0x2f: {  	lr =	sadd.s32 s0, s3;
	s0 =	sld [smem:$0x3FAF]  }
0x30: {  	s3 =	sld [smem:$0x3FB2]  }
0x31: {  	[smem:$0x3FBB] =	sst s10  }
0x32: {  	s10 =	sld [smem:$0x3FB9];
	_ =	sdelay $0x3  }
0x33: {  	p0 =	seq.s32 s10, $0x1;
	s10 =	sld [smem:$0x3FBB];
	_ =	sdelay $0x3  }
0x34: {  	[smem:$0x3FBB] =	sst s10  }
0x35: {  	s10 =	sld [smem:$0x3FBA];
	_ =	sdelay $0x3  }
0x36: {  	p1 =	seq.s32 s10, $0x1;
	s10 =	sld [smem:$0x3FBB];
	_ =	sdelay $0x3  }
0x37: {  	[smem:$0x3FBB] =	sst s10  }
0x38: {  	s10 =	sld [smem:$0x3FBC]  }
0x39: {  	_ = 	snop;
	(pc) =	sbr.ind lr, $3  }
0x3a: {  	_ = 	snop  }
0x3b: {  	_ = 	snop  }
0x3c: {  	p2 =	seq.s32 s10, $0x1;
	s10 =	sld [smem:$0x3FBB]  }
0x3d: {  	_ =	shalt  }
0x3e: {  	_ =	shalt  }
0x3f: {  	_ =	shalt  }
0x40: {  	_ =	shalt  }
0x41: {  	_ =	shalt  }
0x42: {  	_ =	shalt  }
0x43: {  	_ =	shalt  }
0x44: {  	_ =	shalt  }
0x45: {  	_ =	shalt  }
0x46: {  	_ =	shalt  }
0x47: {  	_ =	shalt  }
0x48: {  	_ =	shalt  }
0x49: {  	_ =	shalt  }
0x4a: {  	_ =	shalt  }
0x4b: {  	_ =	shalt  }
0x4c: {  	_ =	shalt  }
0x4d: {  	_ =	shalt  }
0x4e: {  	_ =	shalt  }
0x4f: {  	_ =	shalt  }
0x50: {  	_ =	shalt  }
0x51: {  	_ =	shalt  }
0x52: {  	_ =	shalt  }
0x53: {  	_ =	shalt  }
0x54: {  	_ =	shalt  }
0x55: {  	_ =	shalt  }
0x56: {  	_ =	shalt  }
0x57: {  	_ =	shalt  }
0x58: {  	_ =	shalt  }
0x59: {  	_ =	shalt  }
0x5a: {  	_ =	shalt  }
0x5b: {  	_ =	shalt  }
0x5c: {  	_ =	shalt  }
0x5d: {  	_ =	shalt  }
0x5e: {  	_ =	shalt  }
0x5f: {  	_ =	shalt  }
0x60: {  	_ =	shalt  }
0x61: {  	_ =	shalt  }
0x62: {  	_ =	shalt  }
0x63: {  	_ =	shalt  }
0x64: {  	_ =	shalt  }
0x65: {  	_ =	shalt  }
0x66: {  	_ =	shalt  }
0x67: {  	_ =	shalt  }
0x68: {  	_ =	shalt  }
0x69: {  	_ =	shalt  }
0x6a: {  	_ =	shalt  }
0x6b: {  	_ =	shalt  }
0x6c: {  	_ =	shalt  }
0x6d: {  	_ =	shalt  }
0x6e: {  	_ =	shalt  }
0x6f: {  	_ =	shalt  }
0x70: {  	_ =	shalt  }
0x71: {  	_ =	shalt  }
0x72: {  	_ =	shalt  }
0x73: {  	_ =	shalt  }
0x74: {  	_ =	shalt  }
0x75: {  	_ =	shalt  }
0x76: {  	_ =	shalt  }
0x77: {  	_ =	shalt  }
0x78: {  	_ =	shalt  }
0x79: {  	_ =	shalt  }
0x7a: {  	_ =	shalt  }
0x7b: {  	_ =	shalt  }
0x7c: {  	_ =	shalt  }
0x7d: {  	_ =	shalt  }
0x7e: {  	_ =	shalt  }
0x7f: {  	_ =	shalt  }
0x80: {  	_ =	shalt  }
0x81: {  	_ =	shalt  }
0x82: {  	_ =	shalt  }
0x83: {  	_ =	shalt  }
0x84: {  	_ =	shalt  }
0x85: {  	_ =	shalt  }
0x86: {  	_ =	shalt  }
0x87: {  	_ =	shalt  }
.Lfunc_end0:
.L_simem_size_0:
called_computation_lowered:
.L_overlay_start_0:
0x88: {  	s2 =	sld [smem:$0x3FD9]  }
0x89: {  	s3 =	sld [smem:$0x3FFE];
	_ =	sdelay $0x1  }
0x8a: {  	s1 =	srdreg.scid  }
0x8b: {  	s0 =	sand.u32 $0x1, s1  }
0x8c: {  	s17 =	sshll.u32 s0, $0xA;
	s2 =	sadd.s32 s3, s2  }
0x8d: {  	s2 =	sadd.s32 s2, s17  }
0x8e: {  	[smem:$0x3FC7] =	sst s2  }
0x8f: {  	_ = 	snop  }
0x90: {  	s2 =	sld [smem:$0x3FC9]  }
0x91: {  	s18 =	sld [smem:$0x3FD0];
	(tm) =	ssettm $0x1  }
0x92: {  	s4 =	sld [smem:$0x3FFB];
	_ =	sdelay $0x3  }
0x93: {  	_ =	strace s4  }
0x94: {  	s4 =	sld [smem:$0x3FFC];
	_ =	sdelay $0x3  }
0x95: {  	_ =	strace s4  }
0x96: {  	s4 =	sld [smem:$0x3FFD];
	_ =	sdelay $0x3  }
0x97: {  	_ =	strace s4  }
0x98: {  	_ =	strace $0x8FFFFFFF  }
0x99: {  	s19 =	sld [smem:$0x3FDB];
	_ =	sdelay $0x1  }
0x9a: {  	s5 =	simm.s32 $_scs_section_size  }
0x9b: {  	s6 =	simm.s32 $_size__tile_overlayer_lowered;
	s7 =	simm.s32 $_tile_overlayer_lowered  }
0x9c: {  	s22 =	simm.s32 $0x1BFF;
	s21 =	sshll.u32 s7, $0x1;
	s4 =	sadd.s32 s5, s19  }
0x9d: {  	s8 =	simm.s32 $0x0;
	s20 =	sshll.u32 s6, $0x1;
	s6 =	sadd.s32 s21, s4  }
0x9e: {  	[timem:s8], [sflag:s22] =	dma.local [hbm:s6], s20  }
0x9f: {  	_ =	swait.ge [sflag:s22], s20  }
0xa0: {  	s5 =	ssub.s32 $0x0, s20;
	[sflag:s22] =	ssyncset.done $0x0  }
0xa1: {  	[sflag:s22] =	ssyncadd.s32 s5;
	_ =	sdelay $0x1  }
0xa2: {  	s23 =	simm.s32 $0x1B8B  }
0xa3: {  	_ =	swait.ge [sflag:s23], $0x1  }
0xa4: {  	[sflag:s23] =	ssyncset.done $0x0  }
0xa5: {  	s25 =	simm.s32 $0x1B8E;
	s24 =	sld [smem:$0x3FFE];
	[sflag:s23] =	ssyncadd.s32 $0xFFFFFFFF  }
0xa6: {  	s26 =	simm.s32 $execute0_lowered;
	[smem:$0x3FD2] =	sst s25  }
0xa7: {  	s6 =	sshll.u32 s26, $0x1;
	_ =	strace $0x80000046;
	[dreg:$0x1] =	wrdreg $0xFFFFFFFF  }
0xa8: {  	s28 =	simm.s32 $_size_execute0_lowered;
	s4 =	sadd.s32 s4, s6;
	[dreg:$0x0] =	wrdreg $0x0  }
0xa9: {  	s6 =	sshll.u32 s28, $0x1;
	[dreg:$0x2] =	wrdreg s4  }
0xaa: {  	[dreg:$0x3] =	wrdreg s6  }
0xab: {  	[dreg:$0x4] =	wrdreg $0xC0  }
0xac: {  	_ =	task [dreg:s8], $0x5FFFF  }
0xad: {  	[dreg:$0x1] =	wrdreg $0xFFFFFFFF  }
0xae: {  	[dreg:$0x0] =	wrdreg $0x60  }
0xaf: {  	[dreg:$0x2] =	wrdreg s2  }
0xb0: {  	[dreg:$0x3] =	wrdreg s24  }
0xb1: {  	[dreg:$0x4] =	wrdreg s18  }
0xb2: {  	[dreg:$0x5] =	wrdreg $0x9  }
0xb3: {  	_ =	task.clear_ibuf [dreg:s8], $0x6FFFF;
	_ =	strace $0x90000046  }
0xb4: {  	s29 =	simm.s32 $0x9;
	_ =	strace $0x80000048  }
0xb5: {  	_ =	swait.ge [sflag:s29], $0x1  }
0xb6: {  	[sflag:s29] =	ssyncadd.s32 $0xFFFFFFFF  }
0xb7: {  	_ =	strace $0x90000048  }
0xb8: {  	_ =	sfence  }
0xb9: {  	s30 =	sld [smem:$0x0];
	_ =	sdelay $0x2  }
0xba: {  	s31 =	sshll.u32 s1, $0xD;
	s1 =	sshrl.u32 s1, $0x2  }
0xbb: {  	s3 =	sand.u32 $0x4000, s31;
	s1 =	sadd.s32 s1, s30  }
0xbc: {  	s0 =	sor.u32 s3, s0;
	s1 =	sshll.u32 s1, $0x11  }
0xbd: {  	s0 =	sor.u32 s1, s0  }
0xbe: {  	s0 =	sadd.s32 $0x8F2B, s0  }
0xbf: {  	[sflag:s0] =	ssyncadd.remote.s32 $0x1  }
0xc0: {  	_ =	sfence.sel $0xFFFF  }
0xc1: {  	[dreg:$0x0] =	wrdreg $0xFFFFFFFF;
	(pc) =	sbr.abs _section_cstart, $3  }
0xc2: {  	[dreg:$0x1] =	wrdreg $0xFFFFFFFF  }
0xc3: {  	_ =	task.clear_ibuf [dreg:s8], $0x2FFFF;
	_ =	strace $0x9FFFFFFF  }
0xc4: {  	(tm) =	ssettm $0x7FFFFFFF  }
0xc5: {  	_ =	shalt  }
tec
execute0_lowered:
.L_overlay_start_1:
0x0: {  	(tag) =	ssettag $0x1  }
0x1: {  	s1 =	rddreg [dreg:$0x0]  }
0x2: {  	s2 =	srdreg.scid;
	s4 =	rddreg [dreg:$0x1]  }
0x3: {  	s0 =	stileid.u32;
	s8 =	rddreg [dreg:$0x2];
	s3 =	simm.s32 $0x0  }
0x4: {  	s12 =	simm.s32 $0x880;
	s13 =	simm.s32 $0x1080;
	s14 =	simm.s32 $0x1880  }
0x5: {  	s15 =	simm.s32 $0x2080;
	s16 =	simm.s32 $0x2880;
	s17 =	simm.s32 $0x3080  }
0x6: {  	s18 =	simm.s32 $0x3880;
	s19 =	simm.s32 $0x4080;
	s20 =	simm.s32 $0x4880  }
0x7: {  	s21 =	simm.s32 $0x5080;
	s22 =	simm.s32 $0x5880;
	s23 =	simm.s32 $0x6080  }
0x8: {  	s24 =	simm.s32 $0x6880;
	s25 =	simm.s32 $0x7080;
	s26 =	simm.s32 $0x7880  }
0x9: {  	s28 =	simm.s32 $0x1;
	s29 =	simm.s32 $0x0;
	s5 =	smul.u32 $0x180, s0  }
0xa: {  	s6 =	sand.u32 $0x1, s2;
	[smem:$0x7FF] =	sst s3;
	s31 =	smul.u32 $0xC000, s0  }
0xb: {  	s7 =	smul.u32 $0xC0, s6;
	s30 =	ssub.s32 $0x2, s6;
	_ =	strace $0x80000047  }
0xc: {  	s11 =	smul.u32 $0x6000, s6;
	s6 =	sadd.s32 $0x300, s1;
	s9 =	sshrl.u32 s30, $0x1  }
0xd: {  	s8 =	sadd.s32 s31, s8;
	s5 =	sadd.s32 s7, s5;
	s7 =	ssub.s32 s30, s9  }
0xe: {  	v2 =	vlaneseq.u32;
	s8 =	sadd.s32 s11, s8;
	s11 =	simm.s32 $0x80;
	s5 =	sshrl.u32 s5, $0x3  }
0xf: {  	vm0 =	vmmov $0xffff;
	v1 =	vshrl.u32 v2, $0x3;
	s7 =	smax.u32 s7, $0x1;
	s10 =	sadd.s32 s5, s4;
	s4 =	sadd.s32 $0x100, s1  }
0x10: {  	v0 =	vand.u32 $0x7, v2;
	v2 =	vor.u32 $0x8, v2;
	v1 =	vmul.u32 $0x8, v1;
	s5 =	sadd.s32 $0x200, s1;
	s9 =	sadd.s32 $0x400, s10;
	s10 =	simm.s32 $0x2  }
.LBB2_1:
0x11: {  	s30 =	smov.u32 s8;
	s31 =	simm.s32 $0x0  }
.LBB2_2:
0x12: {  	s2 =	sadd.s32 s31, s9  }
0x13: {  	[tilespmem:s3], [sflag:$0x2] =	stream.linear.gather [hbm4b:s2+s3], $0x20, $0x38;
	[tilespmem:$0x8080] =	vst v63  }
0x14: {  	_ =	swait.ge [sflag:s10], $0x20  }
0x15: {  	[sflag:s10] =	ssyncset.done $0x0  }
0x16: {  	[sflag:s10] =	ssyncadd.s32 $0xFFFFFFE0  }
0x17: {  	v3 =	vld [tilespmem:$0x0];
	_ =	sdelay $0x4  }
0x18: {  	v4 =	vshll.u32 v3, $0x3  }
0x19: {  	v3 =	vand.u32 $0x7, v3;
	v4 =	vand.u32 $0xFFFFFFC0, v4  }
0x1a: {  	v3 =	vor.u32 v3, v4  }
0x1b: {  	v4 =	vperm.xlane v3, v0;
	_ =	sdelay $0x1  }
0x1c: {  	v4 =	vadd.s32 v1, v4;
	_ =	sdelay $0x4  }
0x1d: {  	[tilespmem:s11], [sflag:$0x1] =	stream.indirect_vreg.gather [hbm4b:s1+s3], $0x80, v4, vm0, $0xb8;
	[tilespmem:$0x8080] =	vst v63  }
0x1e: {  	v3 =	vperm.xlane v3, v2  }
0x1f: {  	[tilespmem:s12], [sflag:$0x1] =	stream.indirect_vreg.gather [hbm4b:s4+s3], $0x80, v4, vm0, $0xb8;
	[tilespmem:$0x8080] =	vst v63  }
0x20: {  	v3 =	vadd.s32 v1, v3  }
0x21: {  	[tilespmem:s13], [sflag:$0x1] =	stream.indirect_vreg.gather [hbm4b:s5+s3], $0x80, v4, vm0, $0xb8;
	[tilespmem:$0x8080] =	vst v63  }
0x22: {  	_ = 	snop  }
0x23: {  	[tilespmem:s14], [sflag:$0x1] =	stream.indirect_vreg.gather [hbm4b:s6+s3], $0x80, v4, vm0, $0xb8;
	[tilespmem:$0x8080] =	vst v63  }
0x24: {  	_ = 	snop  }
0x25: {  	[tilespmem:s15], [sflag:$0x1] =	stream.indirect_vreg.gather [hbm4b:s1+s3], $0x80, v3, vm0, $0xb8;
	[tilespmem:$0x8080] =	vst v63  }
0x26: {  	_ = 	snop  }
0x27: {  	[tilespmem:s16], [sflag:$0x1] =	stream.indirect_vreg.gather [hbm4b:s4+s3], $0x80, v3, vm0, $0xb8;
	[tilespmem:$0x8080] =	vst v63  }
0x28: {  	_ = 	snop  }
0x29: {  	[tilespmem:s17], [sflag:$0x1] =	stream.indirect_vreg.gather [hbm4b:s5+s3], $0x80, v3, vm0, $0xb8;
	[tilespmem:$0x8080] =	vst v63  }
0x2a: {  	_ = 	snop  }
0x2b: {  	[tilespmem:s18], [sflag:$0x1] =	stream.indirect_vreg.gather [hbm4b:s6+s3], $0x80, v3, vm0, $0xb8;
	[tilespmem:$0x8080] =	vst v63  }
0x2c: {  	v3 =	vld [tilespmem:$0x10];
	_ =	sdelay $0x4  }
0x2d: {  	v63 =	vshll.u32 v3, $0x3  }
0x2e: {  	v3 =	vand.u32 $0x7, v3;
	v4 =	vand.u32 $0xFFFFFFC0, v63  }
0x2f: {  	v3 =	vor.u32 v3, v4  }
0x30: {  	v4 =	vperm.xlane v3, v0;
	_ =	sdelay $0x1  }
0x31: {  	v4 =	vadd.s32 v1, v4;
	_ =	sdelay $0x4  }
0x32: {  	[tilespmem:s19], [sflag:$0x1] =	stream.indirect_vreg.gather [hbm4b:s1+s3], $0x80, v4, vm0, $0xb8;
	[tilespmem:$0x8080] =	vst v63  }
0x33: {  	v3 =	vperm.xlane v3, v2  }
0x34: {  	[tilespmem:s20], [sflag:$0x1] =	stream.indirect_vreg.gather [hbm4b:s4+s3], $0x80, v4, vm0, $0xb8;
	[tilespmem:$0x8080] =	vst v63  }
0x35: {  	v3 =	vadd.s32 v1, v3  }
0x36: {  	[tilespmem:s21], [sflag:$0x1] =	stream.indirect_vreg.gather [hbm4b:s5+s3], $0x80, v4, vm0, $0xb8;
	[tilespmem:$0x8080] =	vst v63  }
0x37: {  	_ = 	snop  }
0x38: {  	[tilespmem:s22], [sflag:$0x1] =	stream.indirect_vreg.gather [hbm4b:s6+s3], $0x80, v4, vm0, $0xb8;
	[tilespmem:$0x8080] =	vst v63  }
0x39: {  	_ = 	snop  }
0x3a: {  	[tilespmem:s23], [sflag:$0x1] =	stream.indirect_vreg.gather [hbm4b:s1+s3], $0x80, v3, vm0, $0xb8;
	[tilespmem:$0x8080] =	vst v63  }
0x3b: {  	_ = 	snop  }
0x3c: {  	[tilespmem:s24], [sflag:$0x1] =	stream.indirect_vreg.gather [hbm4b:s4+s3], $0x80, v3, vm0, $0xb8;
	[tilespmem:$0x8080] =	vst v63  }
0x3d: {  	_ = 	snop  }
0x3e: {  	[tilespmem:s25], [sflag:$0x1] =	stream.indirect_vreg.gather [hbm4b:s5+s3], $0x80, v3, vm0, $0xb8;
	[tilespmem:$0x8080] =	vst v63  }
0x3f: {  	_ = 	snop  }
0x40: {  	[tilespmem:s26], [sflag:$0x1] =	stream.indirect_vreg.gather [hbm4b:s6+s3], $0x80, v3, vm0, $0xb8;
	[tilespmem:$0x8080] =	vst v63  }
0x41: {  	_ =	swait.ge [sflag:s28], $0x8000  }
0x42: {  	p0 =	sne.s32 s31, $0x14;
	[sflag:s28] =	ssyncset.done $0x0  }
.Ltmp0:
0x43: {  	[sflag:s28] =	ssyncadd.s32 $0xFFFF8000;
	(pc) =	sbr.rel @p0 .LBB2_2-.Ltmp0, $4  }
0x44: {  	[hbm4b:s30+s3] =	stream.linear.scatter [tilespmem:s11], [sflag:$0x2], $0x8000, $0x38;
	[tilespmem:$0x8080] =	vst v63  }
0x45: {  	_ =	swait.ge [sflag:s10], $0x8000  }
0x46: {  	[sflag:s10] =	ssyncset.done $0x0  }
0x47: {  	s31 =	sadd.s32 $0x4, s31;
	s30 =	sadd.s32 $0x1000, s30;
	[sflag:s10] =	ssyncadd.s32 $0xFFFF8000  }
0x48: {  	s29 =	sadd.s32 $0x1, s29  }
0x49: {  	p0 =	sne.s32 s29, s7  }
.Ltmp1:
0x4a: {  	_ = 	snop;
	(pc) =	sbr.rel @p0 .LBB2_1-.Ltmp1, $1  }
0x4b: {  	_ =	sdelay $0x3  }
0x4c: {  	_ =	sfence.sel $0x180000  }
0x4d: {  	[bflag:$0x0] =	sbarrier.arrive $0xFFFF  }
0x4e: {  	_ =	strace $0x90000047  }
0x4f: {  	[bflag:$0x2] =	sbarrier.arrive $0xFFFF  }
0x50: {  	p0 =	sne.s32 s0, $0x0;
	s0 =	rddreg [dreg:$0x3]  }
0x51: {  	s0 =	sadd.s32 @!p0 $0x100000, s0  }
0x52: {  	[sflag:s0] =	ssyncadd.tile.s32 @!p0 $0x1;
	_ =	shalt  }
.Lfunc_end2:
_tile_overlayer_lowered:
.L_overlay_start_2:
0x53: {  	(tag) =	ssettag $0x2  }
0x54: {  	s0 =	rddreg [dreg:$0x0];
	s2 =	stileid.u32  }
0x55: {  	s1 =	rddreg [dreg:$0x1];
	p0 =	sne.s32 s2, $0x0  }
0x56: {  	s3 =	rddreg [dreg:$0x2];
	[bflag:$0x3] =	sbarrier.arrive $0xFFFF;
	s2 =	simm.s32 @!p0 $0x1C02  }
0x57: {  	[timem:s3], [sflag:s2] =	dma.local @!p0 [hbm:s0], s1  }
0x58: {  	s0 =	simm.s32 @!p0 $0x2  }
0x59: {  	_ =	swait.ge @!p0 [sflag:s0], s1  }
0x5a: {  	s1 =	ssub.s32 @!p0 $0x0, s1;
	[sflag:s0] =	ssyncset.done @!p0 $0x0  }
0x5b: {  	[sflag:s0] =	ssyncadd.s32 @!p0 s1  }
0x5c: {  	[bflag:$0x3] =	sbarrier.arrive $0xFFFF  }
0x5d: {  	_ =	shalt  }

</sc_bundles>
